<compile_context>
chip_gen: v7x
topology: tpu7x:2x2x1
jax: 0.10.2.dev20260603
libtpu: 0.0.44.dev20260713+nightly
codegen_flags: <defaults>
</compile_context>

<pallas_src>
import functools

import jax
import jax.numpy as jnp
from jax import lax
from jax.experimental import pallas as pl
from jax.experimental.pallas import tpu as pltpu
from jax.experimental.pallas import tpu_sc as plsc

_NUM_SEGMENTS = 2
_EMBED_DIM = 1024
_BATCH = 4
_SEQ = 8192
_TOKENS = _BATCH * _SEQ
_NW = 32
_TOK_PER_W = _TOKENS // _NW
_DRAIN_ROWS = 16

_mesh = plsc.VectorSubcoreMesh(core_axis_name="c", subcore_axis_name="s")


@functools.partial(
    pl.kernel,
    mesh=_mesh,
    out_type=jax.ShapeDtypeStruct((_TOKENS, _EMBED_DIM), jnp.float32),
    scratch_types=[
        pltpu.SMEM((_TOK_PER_W,), jnp.int32),
        pltpu.VMEM((_NUM_SEGMENTS, _EMBED_DIM), jnp.float32),
        pltpu.VMEM((_DRAIN_ROWS, _EMBED_DIM), jnp.float32),
        pltpu.VMEM_SHARED((_BATCH, _SEQ), jnp.int32),
        pltpu.SemaphoreType.DMA,
    ],
)
def _segment_gather(idx_hbm, table_hbm, out_hbm, idx_s, table_v, drain_v,
                    idx_sp, sem):
    sid = lax.axis_index("s")
    wid = sid * 2 + lax.axis_index("c")
    base = wid * _TOK_PER_W
    pltpu.sync_copy(table_hbm, table_v)

    @pl.when(sid == 0)
    def _():
        pltpu.sync_copy(idx_hbm, idx_sp)

    plsc.subcore_barrier()
    _W_PER_B = _SEQ // _TOK_PER_W
    pltpu.sync_copy(
        idx_sp.at[wid // _W_PER_B,
                  pl.ds((wid % _W_PER_B) * _TOK_PER_W, _TOK_PER_W)], idx_s)

    def body(t, carry):
        s = idx_s[t]
        pltpu.async_copy(table_v.at[s], out_hbm.at[base + t], sem)
        return carry

    lax.fori_loop(0, _TOK_PER_W, body, 0)

    def dbody(i, carry):
        pltpu.make_async_copy(out_hbm.at[pl.ds(base, _DRAIN_ROWS)], drain_v,
                              sem).wait()
        return carry

    lax.fori_loop(0, _TOK_PER_W // _DRAIN_ROWS, dbody, 0)


def kernel(inputs, segment_embed_weights):
    idx = inputs.astype(jnp.int32)
    out = _segment_gather(idx, segment_embed_weights)
    return (out.reshape(_BATCH, _SEQ, _EMBED_DIM), segment_embed_weights)

# --- scband reference (transcript-rebuilt; emitter-appended) ---
"""Pipeline reference for scband-segment-embedding-52037823758760 (READ-ONLY COPY).

The authoritative reference and input builder live on the scoring server;
editing this copy changes nothing except your own understanding.
"""

import jax, jax.numpy as jnp
import numpy as np

NUM_SEGMENTS = 2
EMBED_DIM = 1024
BATCH = 4
SEQ = 8192


def setup_inputs(seed: int = 0) -> dict:
    key = jax.random.key(seed)
    k1, k2 = jax.random.split(key)
    inputs = jax.random.randint(k1, (BATCH, SEQ), 0, NUM_SEGMENTS, dtype=jnp.int32)
    # truncated_normal(stddev=0.02) initializer for the segment embedding table
    segment_embed_weights = (jax.random.truncated_normal(k2, -2.0, 2.0, (NUM_SEGMENTS, EMBED_DIM), dtype=jnp.float32) * 0.02)
    return {"inputs": inputs, "segment_embed_weights": segment_embed_weights}


def reference(inputs, segment_embed_weights):
    # call(): cast indices to int32 if needed, then gather rows of the table.
    idx = inputs.astype(jnp.int32)
    segment_embed = jnp.take(segment_embed_weights, idx, axis=0)
    # original layer returns [segment_embed, segment_embed_weights]
    return (segment_embed, segment_embed_weights)

if __name__ == "__main__":
    import jax
    _d = setup_inputs()
    print(jax.jit(kernel)(*tuple(_d.values())))

</pallas_src>

<mosaic_0001>
#map = affine_map<(d0, d1) -> (0, 0)>
module attributes {stable_mosaic.version = 14 : i64} {
  func.func @_segment_gather(%arg0: i32, %arg1: i32, %arg2: memref<4x8192xi32, #tpu.memory_space<hbm>>, %arg3: memref<2x1024xf32, #tpu.memory_space<hbm>>, %arg4: memref<32768x1024xf32, #tpu.memory_space<hbm>>, %arg5: memref<1024xi32, #tpu.memory_space<smem>>, %arg6: memref<2x1024xf32, #tpu.memory_space<vmem>>, %arg7: memref<16x1024xf32, #tpu.memory_space<vmem>>, %arg8: memref<4x8192xi32, #tpu.memory_space<vmem_shared>>, %arg9: memref<!tpu.dma_semaphore, #tpu.memory_space<semaphore_mem>>) attributes {dimension_semantics = [#tpu.dimension_semantics<core_parallel>, #tpu.dimension_semantics<subcore_parallel>], iteration_bounds = array<i64: 2, 16>, scalar_prefetch = 0 : i64, scratch_operands = 5 : i64, tpu.core_type = #tpu.core_type<sc_vector_subcore>, window_params = [{transform_indices = #map}, {transform_indices = #map}, {transform_indices = #map}]} {
    %mul3A = arith.constant 2 : i32
    %mul3A_0 = arith.muli %arg1, %mul3A : i32
    %add3A = arith.addi %mul3A_0, %arg0 : i32
    %mul3A_1 = arith.constant 1024 : i32
    %mul3A_2 = arith.muli %add3A, %mul3A_1 : i32
    "tpu.region"() ({
      %run_scoped3A = tpu.sem_alloc : memref<!tpu.dma_semaphore, #tpu.memory_space<semaphore_mem>>
      tpu.enqueue_dma source(%arg3 : memref<2x1024xf32, #tpu.memory_space<hbm>>) target(%arg6 : memref<2x1024xf32, #tpu.memory_space<vmem>>) target_semaphore(%run_scoped3A : memref<!tpu.dma_semaphore, #tpu.memory_space<semaphore_mem>>)
      tpu.wait_dma2 semaphore(%run_scoped3A : memref<!tpu.dma_semaphore, #tpu.memory_space<semaphore_mem>>) src(%arg3 : memref<2x1024xf32, #tpu.memory_space<hbm>>) dst(%arg6 : memref<2x1024xf32, #tpu.memory_space<vmem>>)
      tpu.yield
    }) : () -> ()
    %eq3A = arith.constant 0 : i32
    %eq3A_3 = arith.cmpi eq, %arg1, %eq3A : i32
    %convert_element_type3A = arith.extui %eq3A_3 : i1 to i32
    %cond3A = arith.constant 0 : i32
    %cond3A_4 = arith.cmpi ne, %convert_element_type3A, %cond3A : i32
    scf.if %cond3A_4 {
      "tpu.region"() ({
        %run_scoped3A = tpu.sem_alloc : memref<!tpu.dma_semaphore, #tpu.memory_space<semaphore_mem>>
        tpu.enqueue_dma source(%arg2 : memref<4x8192xi32, #tpu.memory_space<hbm>>) target(%arg8 : memref<4x8192xi32, #tpu.memory_space<vmem_shared>>) target_semaphore(%run_scoped3A : memref<!tpu.dma_semaphore, #tpu.memory_space<semaphore_mem>>)
        tpu.wait_dma2 semaphore(%run_scoped3A : memref<!tpu.dma_semaphore, #tpu.memory_space<semaphore_mem>>) src(%arg2 : memref<4x8192xi32, #tpu.memory_space<hbm>>) dst(%arg8 : memref<4x8192xi32, #tpu.memory_space<vmem_shared>>)
        tpu.yield
      }) : () -> ()
    } else {
    }
    %barrier3A = arith.constant 0 : index
    tpu.barrier barrier_id(%barrier3A)
    %jit3A = arith.constant 8 : i32
    %div3A = arith.divsi %add3A, %jit3A : i32
    %sign3A = arith.constant 0 : i32
    %sign3A_5 = arith.cmpi sgt, %add3A, %sign3A : i32
    %sign3A_6 = arith.extui %sign3A_5 : i1 to i32
    %sign3A_7 = arith.constant 0 : i32
    %sign3A_8 = arith.cmpi slt, %add3A, %sign3A_7 : i32
    %sign3A_9 = arith.extui %sign3A_8 : i1 to i32
    %sign3A_10 = arith.subi %sign3A_6, %sign3A_9 : i32
    %sign3A_11 = arith.constant 0 : i32
    %sign3A_12 = arith.cmpi sgt, %jit3A, %sign3A_11 : i32
    %sign3A_13 = arith.extui %sign3A_12 : i1 to i32
    %sign3A_14 = arith.constant 0 : i32
    %sign3A_15 = arith.cmpi slt, %jit3A, %sign3A_14 : i32
    %sign3A_16 = arith.extui %sign3A_15 : i1 to i32
    %sign3A_17 = arith.subi %sign3A_13, %sign3A_16 : i32
    %ne3A = arith.cmpi ne, %sign3A_10, %sign3A_17 : i32
    %rem3A = arith.remsi %add3A, %jit3A : i32
    %ne3A_18 = arith.constant 0 : i32
    %ne3A_19 = arith.cmpi ne, %rem3A, %ne3A_18 : i32
    %and3A = arith.andi %ne3A, %ne3A_19 : i1
    %sub3A = arith.constant 1 : i32
    %sub3A_20 = arith.subi %div3A, %sub3A : i32
    %select_n3A = arith.select %and3A, %sub3A_20, %div3A : i32
    %jit3A_21 = arith.constant 8 : i32
    %eq3A_22 = arith.constant 0 : i32
    %eq3A_23 = arith.cmpi eq, %jit3A_21, %eq3A_22 : i32
    %jit3A_24 = arith.constant 1 : i32
    %select_n3A_25 = arith.select %eq3A_23, %jit3A_24, %jit3A_21 : i32
    %rem3A_26 = arith.remsi %add3A, %select_n3A_25 : i32
    %ne3A_27 = arith.constant 0 : i32
    %ne3A_28 = arith.cmpi ne, %rem3A_26, %ne3A_27 : i32
    %lt3A = arith.constant 0 : i32
    %lt3A_29 = arith.cmpi slt, %rem3A_26, %lt3A : i32
    %lt3A_30 = arith.constant 0 : i32
    %lt3A_31 = arith.cmpi slt, %select_n3A_25, %lt3A_30 : i32
    %ne3A_32 = arith.xori %lt3A_29, %lt3A_31 : i1
    %and3A_33 = arith.andi %ne3A_32, %ne3A_28 : i1
    %add3A_34 = arith.addi %rem3A_26, %select_n3A_25 : i32
    %select_n3A_35 = arith.select %and3A_33, %add3A_34, %rem3A_26 : i32
    %mul3A_36 = arith.constant 1024 : i32
    %mul3A_37 = arith.muli %select_n3A_35, %mul3A_36 : i32
    "tpu.region"() ({
      %run_scoped3A = tpu.sem_alloc : memref<!tpu.dma_semaphore, #tpu.memory_space<semaphore_mem>>
      %dma_start3A = tpu.memref_slice %arg8[%select_n3A, %mul3A_37] : memref<4x8192xi32, #tpu.memory_space<vmem_shared>> -> memref<1x1024xi32, #tpu.memory_space<vmem_shared>>
      %dma_start3A_49 = tpu.memref_squeeze %dma_start3A : memref<1x1024xi32, #tpu.memory_space<vmem_shared>> -> memref<1024xi32, #tpu.memory_space<vmem_shared>>
      tpu.enqueue_dma source(%dma_start3A_49 : memref<1024xi32, #tpu.memory_space<vmem_shared>>) target(%arg5 : memref<1024xi32, #tpu.memory_space<smem>>) target_semaphore(%run_scoped3A : memref<!tpu.dma_semaphore, #tpu.memory_space<semaphore_mem>>)
      %dma_wait3A = tpu.memref_slice %arg8[%select_n3A, %mul3A_37] : memref<4x8192xi32, #tpu.memory_space<vmem_shared>> -> memref<1x1024xi32, #tpu.memory_space<vmem_shared>>
      %dma_wait3A_50 = tpu.memref_squeeze %dma_wait3A : memref<1x1024xi32, #tpu.memory_space<vmem_shared>> -> memref<1024xi32, #tpu.memory_space<vmem_shared>>
      tpu.wait_dma2 semaphore(%run_scoped3A : memref<!tpu.dma_semaphore, #tpu.memory_space<semaphore_mem>>) src(%dma_wait3A_50 : memref<1024xi32, #tpu.memory_space<vmem_shared>>) dst(%arg5 : memref<1024xi32, #tpu.memory_space<smem>>)
      tpu.yield
    }) : () -> ()
    %scan3A = arith.constant 0 : i32
    %scan3A_38 = arith.constant 0 : i32
    %scan3A_39 = arith.constant 1024 : i32
    %scan3A_40 = arith.addi %scan3A_38, %scan3A_39 : i32
    %scan3A_41 = arith.constant 1 : i32
    scf.for %scan3A_49 = %scan3A_38 to %scan3A_40 step %scan3A_41  : i32 {
      %get3A = arith.index_cast %scan3A_49 : i32 to index
      %get3A_50 = memref.load %arg5[%get3A] : memref<1024xi32, #tpu.memory_space<smem>>
      %add3A_51 = arith.addi %mul3A_2, %scan3A_49 : i32
      %dma_start3A = arith.constant 0 : i32
      %dma_start3A_52 = tpu.memref_slice %arg6[%get3A_50, %dma_start3A] : memref<2x1024xf32, #tpu.memory_space<vmem>> -> memref<1x1024xf32, #tpu.memory_space<vmem>>
      %dma_start3A_53 = tpu.memref_squeeze %dma_start3A_52 : memref<1x1024xf32, #tpu.memory_space<vmem>> -> memref<1024xf32, #tpu.memory_space<vmem>>
      %dma_start3A_54 = arith.constant 0 : i32
      %dma_start3A_55 = tpu.memref_slice %arg4[%add3A_51, %dma_start3A_54] : memref<32768x1024xf32, #tpu.memory_space<hbm>> -> memref<1x1024xf32, #tpu.memory_space<hbm>>
      %dma_start3A_56 = tpu.memref_squeeze %dma_start3A_55 : memref<1x1024xf32, #tpu.memory_space<hbm>> -> memref<1024xf32, #tpu.memory_space<hbm>>
      %dma_start3A_57 = arith.constant 0 : i32
      %dma_start3A_58 = tpu.memref_slice %arg4[%add3A_51, %dma_start3A_57] : memref<32768x1024xf32, #tpu.memory_space<hbm>> -> memref<1x1024xf32, #tpu.memory_space<hbm>>
      %dma_start3A_59 = tpu.memref_squeeze %dma_start3A_58 : memref<1x1024xf32, #tpu.memory_space<hbm>> -> memref<1024xf32, #tpu.memory_space<hbm>>
      %dma_start3A_60 = arith.constant 0 : i32
      %dma_start3A_61 = tpu.memref_slice %arg6[%get3A_50, %dma_start3A_60] : memref<2x1024xf32, #tpu.memory_space<vmem>> -> memref<1x1024xf32, #tpu.memory_space<vmem>>
      %dma_start3A_62 = tpu.memref_squeeze %dma_start3A_61 : memref<1x1024xf32, #tpu.memory_space<vmem>> -> memref<1024xf32, #tpu.memory_space<vmem>>
      tpu.enqueue_dma source(%dma_start3A_62 : memref<1024xf32, #tpu.memory_space<vmem>>) target(%dma_start3A_59 : memref<1024xf32, #tpu.memory_space<hbm>>) target_semaphore(%arg9 : memref<!tpu.dma_semaphore, #tpu.memory_space<semaphore_mem>>)
    }
    %scan3A_42 = arith.constant 1024 : i32
    %scan3A_43 = arith.constant 0 : i32
    %scan3A_44 = arith.constant 0 : i32
    %scan3A_45 = arith.constant 64 : i32
    %scan3A_46 = arith.addi %scan3A_44, %scan3A_45 : i32
    %scan3A_47 = arith.constant 1 : i32
    scf.for %scan3A_49 = %scan3A_44 to %scan3A_46 step %scan3A_47  : i32 {
      %dma_wait3A = arith.constant 0 : i32
      %dma_wait3A_50 = tpu.memref_slice %arg4[%mul3A_2, %dma_wait3A] : memref<32768x1024xf32, #tpu.memory_space<hbm>> -> memref<16x1024xf32, #tpu.memory_space<hbm>>
      %dma_wait3A_51 = arith.constant 0 : i32
      %dma_wait3A_52 = tpu.memref_slice %arg4[%mul3A_2, %dma_wait3A_51] : memref<32768x1024xf32, #tpu.memory_space<hbm>> -> memref<16x1024xf32, #tpu.memory_space<hbm>>
      tpu.wait_dma2 semaphore(%arg9 : memref<!tpu.dma_semaphore, #tpu.memory_space<semaphore_mem>>) src(%dma_wait3A_52 : memref<16x1024xf32, #tpu.memory_space<hbm>>) dst(%arg7 : memref<16x1024xf32, #tpu.memory_space<vmem>>)
    }
    %scan3A_48 = arith.constant 64 : i32
    return
  }
}

</mosaic_0001>

<sc_bundles>
// kernel: kernel.3.cloned.1.call-start
scs
__scs_entry_jumppad:
0x0: {  	(pc) =	sbr.rel $0x88, $3  }
0x1: {  	(tag) =	ssettag $0x0;
	lr =	simm.s32 $0x1  }
0x2: {  	[smem:$0x3F9F] =	sst lr;
	_ =	strace $0xD0000000  }
0x3: {  	_ = 	snop  }
0x4: {  	_ = 	snop  }
0x5: {  	_ = 	snop  }
0x6: {  	_ = 	snop  }
0x7: {  	_ = 	snop  }
__scs_overlays_trampoline_lowered:
0x8: {  	[smem:$0x3FAE] =	sst s0  }
0x9: {  	[smem:$0x3FAF] =	sst s1  }
0xa: {  	[smem:$0x3FB0] =	sst s2  }
0xb: {  	[smem:$0x3FB1] =	sst s3  }
0xc: {  	[smem:$0x3FB2] =	sst s4  }
0xd: {  	[smem:$0x3FB3] =	sst s5  }
0xe: {  	[smem:$0x3FB4] =	sst s6  }
0xf: {  	[smem:$0x3FB5] =	sst s7  }
0x10: {  	[smem:$0x3FB6] =	sst s8  }
0x11: {  	[smem:$0x3FB7] =	sst s9;
	s0 =	simm.s32 @!p0 $0x0  }
0x12: {  	s1 =	sld [smem:$0x3F9D];
	s0 =	simm.s32 @p0 $0x1  }
0x13: {  	[smem:$0x3FB8] =	sst s0;
	s0 =	simm.s32 @!p1 $0x0  }
0x14: {  	s2 =	sld [smem:$0x3F9C];
	s0 =	simm.s32 @p1 $0x1  }
0x15: {  	[smem:$0x3FB9] =	sst s0;
	s0 =	simm.s32 @!p2 $0x0  }
0x16: {  	s3 =	sld [smem:$0x3FDB];
	s0 =	simm.s32 @p2 $0x1  }
0x17: {  	s4 =	simm.s32 $0x1BF5;
	[smem:$0x3FBB] =	sst s0  }
0x18: {  	s0 =	sld [smem:$0x3F9E];
	_ =	swait.ge [sflag:s4], $0x0  }
0x19: {  	s7 =	sld [smem:$0x3F9F]  }
0x1a: {  	s8 =	sadd.s32 $0xFFFFE003, lr  }
0x1b: {  	s9 =	sadd.s32 $0xFFFFFEF7, lr;
	s5 =	simm.s32 $0xFFFFFFFF;
	p2 =	slt.u32 s8, $0xFFFFF086  }
0x1c: {  	p1 =	slt.u32 s9, $0xF7A;
	s5 =	simm.s32 @!p2 $0x0  }
0x1d: {  	s5 =	simm.s32 @p1 $0x1;
	p0 =	seq.s32 s7, s2  }
0x1e: {  	s7 =	smul.u32 @!p0 $0xF7A, s2;
	p2 =	seq.s32 @!p0 s5, $0x0  }
0x1f: {  	s9 =	smul.u32 $0xF7A, s1;
	s8 =	simm.s32 @!p0 $0x1BF5;
	p2 =	por !p2, p0  }
0x20: {  	[sflag:s8] =	ssyncset.s32 @!p0 $0xFFFFF086;
	s6 =	sadd.s32 @!p0 s3, s7;
	s7 =	simm.s32 @!p0 $0x108  }
0x21: {  	s3 =	sadd.s32 s3, s9;
	s6 =	sadd.s32 @!p0 $0x88, s6;
	s7 =	simm.s32 @p2 $0x1082  }
0x22: {  	[simem:s7], [sflag:s8] =	dma.local @!p0 [hbm:s6], $0xF7A  }
0x23: {  	s9 =	sor.u32 $0xD0000000, s2;
	s6 =	simm.s32 $0x108;
	_ =	swait.ge @!p0 [sflag:s8], $0x0  }
0x24: {  	s3 =	sadd.s32 $0x88, s3;
	s6 =	simm.s32 @!p1 $0x1082;
	[sflag:s4] =	ssyncset.s32 $0xFFFFF086  }
0x25: {  	[simem:s6], [sflag:s4] =	dma.local [hbm:s3], $0xF7A  }
0x26: {  	[smem:$0x3F9F] =	sst s1;
	(tag) =	ssettag s2;
	_ =	strace s9  }
0x27: {  	s1 =	sld [smem:$0x3FAF]  }
0x28: {  	s2 =	sld [smem:$0x3FB0]  }
0x29: {  	s4 =	sld [smem:$0x3FB2]  }
0x2a: {  	p0 =	seq.s32 s5, $0x0;
	s5 =	sld [smem:$0x3FB3]  }
0x2b: {  	s6 =	sld [smem:$0x3FB4]  }
0x2c: {  	s7 =	sld [smem:$0x3FB5]  }
0x2d: {  	s3 =	simm.s32 $0x108;
	s8 =	sld [smem:$0x3FB6]  }
0x2e: {  	s3 =	simm.s32 @!p0 $0x1082;
	s9 =	sld [smem:$0x3FB7]  }
0x2f: {  	lr =	sadd.s32 s0, s3;
	s0 =	sld [smem:$0x3FAE]  }
0x30: {  	s3 =	sld [smem:$0x3FB1]  }
0x31: {  	[smem:$0x3FBA] =	sst s10  }
0x32: {  	s10 =	sld [smem:$0x3FB8];
	_ =	sdelay $0x3  }
0x33: {  	p0 =	seq.s32 s10, $0x1;
	s10 =	sld [smem:$0x3FBA];
	_ =	sdelay $0x3  }
0x34: {  	[smem:$0x3FBA] =	sst s10  }
0x35: {  	s10 =	sld [smem:$0x3FB9];
	_ =	sdelay $0x3  }
0x36: {  	p1 =	seq.s32 s10, $0x1;
	s10 =	sld [smem:$0x3FBA];
	_ =	sdelay $0x3  }
0x37: {  	[smem:$0x3FBA] =	sst s10  }
0x38: {  	s10 =	sld [smem:$0x3FBB]  }
0x39: {  	_ = 	snop;
	(pc) =	sbr.ind lr, $3  }
0x3a: {  	_ = 	snop  }
0x3b: {  	_ = 	snop  }
0x3c: {  	p2 =	seq.s32 s10, $0x1;
	s10 =	sld [smem:$0x3FBA]  }
0x3d: {  	_ =	shalt  }
0x3e: {  	_ =	shalt  }
0x3f: {  	_ =	shalt  }
0x40: {  	_ =	shalt  }
0x41: {  	_ =	shalt  }
0x42: {  	_ =	shalt  }
0x43: {  	_ =	shalt  }
0x44: {  	_ =	shalt  }
0x45: {  	_ =	shalt  }
0x46: {  	_ =	shalt  }
0x47: {  	_ =	shalt  }
0x48: {  	_ =	shalt  }
0x49: {  	_ =	shalt  }
0x4a: {  	_ =	shalt  }
0x4b: {  	_ =	shalt  }
0x4c: {  	_ =	shalt  }
0x4d: {  	_ =	shalt  }
0x4e: {  	_ =	shalt  }
0x4f: {  	_ =	shalt  }
0x50: {  	_ =	shalt  }
0x51: {  	_ =	shalt  }
0x52: {  	_ =	shalt  }
0x53: {  	_ =	shalt  }
0x54: {  	_ =	shalt  }
0x55: {  	_ =	shalt  }
0x56: {  	_ =	shalt  }
0x57: {  	_ =	shalt  }
0x58: {  	_ =	shalt  }
0x59: {  	_ =	shalt  }
0x5a: {  	_ =	shalt  }
0x5b: {  	_ =	shalt  }
0x5c: {  	_ =	shalt  }
0x5d: {  	_ =	shalt  }
0x5e: {  	_ =	shalt  }
0x5f: {  	_ =	shalt  }
0x60: {  	_ =	shalt  }
0x61: {  	_ =	shalt  }
0x62: {  	_ =	shalt  }
0x63: {  	_ =	shalt  }
0x64: {  	_ =	shalt  }
0x65: {  	_ =	shalt  }
0x66: {  	_ =	shalt  }
0x67: {  	_ =	shalt  }
0x68: {  	_ =	shalt  }
0x69: {  	_ =	shalt  }
0x6a: {  	_ =	shalt  }
0x6b: {  	_ =	shalt  }
0x6c: {  	_ =	shalt  }
0x6d: {  	_ =	shalt  }
0x6e: {  	_ =	shalt  }
0x6f: {  	_ =	shalt  }
0x70: {  	_ =	shalt  }
0x71: {  	_ =	shalt  }
0x72: {  	_ =	shalt  }
0x73: {  	_ =	shalt  }
0x74: {  	_ =	shalt  }
0x75: {  	_ =	shalt  }
0x76: {  	_ =	shalt  }
0x77: {  	_ =	shalt  }
0x78: {  	_ =	shalt  }
0x79: {  	_ =	shalt  }
0x7a: {  	_ =	shalt  }
0x7b: {  	_ =	shalt  }
0x7c: {  	_ =	shalt  }
0x7d: {  	_ =	shalt  }
0x7e: {  	_ =	shalt  }
0x7f: {  	_ =	shalt  }
0x80: {  	_ =	shalt  }
0x81: {  	_ =	shalt  }
0x82: {  	_ =	shalt  }
0x83: {  	_ =	shalt  }
0x84: {  	_ =	shalt  }
0x85: {  	_ =	shalt  }
0x86: {  	_ =	shalt  }
0x87: {  	_ =	shalt  }
.Lfunc_end0:
.L_simem_size_0:
called_computation_lowered:
.L_overlay_start_0:
0x88: {  	s2 =	sld [smem:$0x3FD9]  }
0x89: {  	s3 =	sld [smem:$0x3FFE];
	_ =	sdelay $0x1  }
0x8a: {  	s1 =	srdreg.scid  }
0x8b: {  	s0 =	sand.u32 $0x1, s1  }
0x8c: {  	s15 =	sshll.u32 s0, $0xA;
	s2 =	sadd.s32 s3, s2  }
0x8d: {  	s2 =	sadd.s32 s2, s15  }
0x8e: {  	[smem:$0x3FC6] =	sst s2  }
0x8f: {  	_ = 	snop  }
0x90: {  	s2 =	sld [smem:$0x3FD0];
	_ =	sdelay $0x1  }
0x91: {  	s16 =	sld [smem:$0x3FC9]  }
0x92: {  	s5 =	simm.s32 $0xA;
	s6 =	simm.s32 $0x10;
	s4 =	sld [smem:$0x3FC8]  }
0x93: {  	[smem:s6], [sflag:s5] =	dma.local [hbm:s2], $0x1  }
0x94: {  	_ =	swait.eq [sflag:s5], $0x1  }
0x95: {  	[sflag:s5] =	ssyncset.done $0x0  }
0x96: {  	[sflag:s5] =	ssyncadd.s32 $0xFFFFFFFF  }
0x97: {  	s17 =	sld [smem:$0x10];
	(tm) =	ssettm $0x1  }
0x98: {  	s18 =	sld [smem:$0x3FFB];
	_ =	sdelay $0x3  }
0x99: {  	_ =	strace s18  }
0x9a: {  	s5 =	sld [smem:$0x3FFC];
	_ =	sdelay $0x3  }
0x9b: {  	_ =	strace s5  }
0x9c: {  	s5 =	sld [smem:$0x3FFD];
	_ =	sdelay $0x3  }
0x9d: {  	_ =	strace s5  }
0x9e: {  	_ =	strace $0x8FFFFFFF  }
0x9f: {  	s19 =	sld [smem:$0x3FDB];
	_ =	sdelay $0x1  }
0xa0: {  	s20 =	simm.s32 $_scs_section_size  }
0xa1: {  	s7 =	simm.s32 $_size__tile_overlayer_lowered;
	s8 =	simm.s32 $_tile_overlayer_lowered  }
0xa2: {  	s23 =	simm.s32 $0x1BFF;
	s22 =	sshll.u32 s8, $0x1;
	s5 =	sadd.s32 s20, s19  }
0xa3: {  	s9 =	simm.s32 $0x0;
	s21 =	sshll.u32 s7, $0x1;
	s7 =	sadd.s32 s22, s5  }
0xa4: {  	[timem:s9], [sflag:s23] =	dma.local [hbm:s7], s21  }
0xa5: {  	_ =	swait.ge [sflag:s23], s21  }
0xa6: {  	s6 =	ssub.s32 $0x0, s21;
	[sflag:s23] =	ssyncset.done $0x0  }
0xa7: {  	[sflag:s23] =	ssyncadd.s32 s6;
	_ =	sdelay $0x1  }
0xa8: {  	s24 =	simm.s32 $0x1B8B  }
0xa9: {  	_ =	swait.ge [sflag:s24], $0x1  }
0xaa: {  	[sflag:s24] =	ssyncset.done $0x0  }
0xab: {  	s25 =	simm.s32 $0x1B8E;
	[sflag:s24] =	ssyncadd.s32 $0xFFFFFFFF  }
0xac: {  	s26 =	simm.s32 $execute0_lowered;
	[smem:$0x3FD2] =	sst s25  }
0xad: {  	s6 =	sshll.u32 s26, $0x1;
	_ =	strace $0x80000046;
	[dreg:$0x1] =	wrdreg $0xFFFFFFFF  }
0xae: {  	s28 =	simm.s32 $_size_execute0_lowered;
	s5 =	sadd.s32 s5, s6;
	[dreg:$0x0] =	wrdreg $0x0  }
0xaf: {  	s6 =	sshll.u32 s28, $0x1;
	[dreg:$0x2] =	wrdreg s5  }
0xb0: {  	[dreg:$0x3] =	wrdreg s6  }
0xb1: {  	[dreg:$0x4] =	wrdreg $0xC0  }
0xb2: {  	_ =	task [dreg:s9], $0x5FFFF  }
0xb3: {  	[dreg:$0x1] =	wrdreg $0xFFFFFFFF  }
0xb4: {  	[dreg:$0x0] =	wrdreg $0x60  }
0xb5: {  	[dreg:$0x2] =	wrdreg s16  }
0xb6: {  	[dreg:$0x3] =	wrdreg s4  }
0xb7: {  	[dreg:$0x4] =	wrdreg s17  }
0xb8: {  	[dreg:$0x5] =	wrdreg $0x8000  }
0xb9: {  	[dreg:$0x6] =	wrdreg $0x9  }
0xba: {  	_ =	task.clear_ibuf [dreg:s9], $0x7FFFF;
	_ =	strace $0x90000046  }
0xbb: {  	s29 =	simm.s32 $0x9;
	_ =	strace $0x80000048  }
0xbc: {  	_ =	swait.ge [sflag:s29], $0x1  }
0xbd: {  	[sflag:s29] =	ssyncadd.s32 $0xFFFFFFFF  }
0xbe: {  	_ =	strace $0x90000048  }
0xbf: {  	_ =	sfence  }
0xc0: {  	s30 =	sld [smem:$0x0];
	_ =	sdelay $0x2  }
0xc1: {  	s31 =	sshll.u32 s1, $0xD;
	s1 =	sshrl.u32 s1, $0x2  }
0xc2: {  	s3 =	sand.u32 $0x4000, s31;
	s1 =	sadd.s32 s1, s30  }
0xc3: {  	s0 =	sor.u32 s3, s0;
	s1 =	sshll.u32 s1, $0x11  }
0xc4: {  	s0 =	sor.u32 s1, s0  }
0xc5: {  	s0 =	sadd.s32 $0x8F2B, s0  }
0xc6: {  	[sflag:s0] =	ssyncadd.remote.s32 $0x1  }
0xc7: {  	_ =	sfence.sel $0xFFFF  }
0xc8: {  	[dreg:$0x0] =	wrdreg $0xFFFFFFFF;
	(pc) =	sbr.abs _section_cstart, $3  }
0xc9: {  	[dreg:$0x1] =	wrdreg $0xFFFFFFFF  }
0xca: {  	_ =	task.clear_ibuf [dreg:s9], $0x2FFFF;
	_ =	strace $0x9FFFFFFF  }
0xcb: {  	(tm) =	ssettm $0x7FFFFFFF  }
tec
execute0_lowered:
.L_overlay_start_1:
0x0: {  	(tag) =	ssettag $0x1  }
0x1: {  	s0 =	rddreg [dreg:$0x2]  }
0x2: {  	s1 =	rddreg [dreg:$0x3]  }
0x3: {  	s4 =	srdreg.scid;
	s13 =	stileid.u32;
	s3 =	simm.s32 $0x0  }
0x4: {  	s14 =	simm.s32 $0x2;
	s16 =	simm.s32 $0x80;
	s17 =	simm.s32 $0x100  }
0x5: {  	s18 =	simm.s32 $0x180;
	s19 =	simm.s32 $0x200;
	s20 =	simm.s32 $0x280  }
0x6: {  	s21 =	simm.s32 $0x300;
	s22 =	simm.s32 $0x380;
	s23 =	simm.s32 $0x1  }
0x7: {  	s24 =	simm.s32 $0x0;
	s4 =	sand.u32 $0x1, s4;
	s5 =	sshll.u32 s13, $0x1  }
0x8: {  	[smem:$0x7FF] =	sst s3;
	s7 =	sshll.u32 s13, $0x5;
	s5 =	sor.u32 s4, s5  }
0x9: {  	p0 =	sne.s32 s13, $0x0;
	_ =	strace $0x80000047;
	s6 =	sshll.u32 s5, $0xC  }
0xa: {  	s4 =	ssub.s32 $0x2, s4;
	s7 =	sand.u32 $0x180, s7;
	s6 =	sand.u32 $0x7000, s6  }
0xb: {  	s15 =	sshrl.u32 @!p0 s1, $0x3;
	s8 =	sshrl.u32 s4, $0x1;
	s6 =	sadd.s32 s6, s1  }
0xc: {  	s5 =	sshll.u32 s5, $0x11;
	s8 =	ssub.s32 s4, s8;
	s4 =	sadd.s32 s7, s6  }
0xd: {  	s5 =	sadd.s32 s0, s5;
	s6 =	smax.u32 s8, $0x1;
	s7 =	sadd.s32 $0x200, s4  }
0xe: {  	s8 =	sadd.s32 $0x400, s4;
	s9 =	sadd.s32 $0x600, s4;
	s10 =	sadd.s32 $0x800, s4  }
0xf: {  	s11 =	sadd.s32 $0xA00, s4;
	s12 =	sadd.s32 $0xC00, s4;
	s13 =	sadd.s32 $0xE00, s4  }
.LBB2_1:
0x10: {  	s0 =	rddreg [dreg:$0x1]  }
0x11: {  	[tilespmem:s3], [sflag:$0x2] =	stream.linear.gather [hbm4b:s0+s3], $0x800, $0x38;
	[tilespmem:$0x1000] =	vst v63  }
0x12: {  	_ =	swait.ge [sflag:s14], $0x800  }
0x13: {  	[sflag:s14] =	ssyncset.done $0x0  }
0x14: {  	[sflag:s14] =	ssyncadd.s32 $0xFFFFF800  }
0x15: {  	s0 =	simm.s32 @!p0 $0x1C02;
	s1 =	rddreg [dreg:$0x0]  }
0x16: {  	[spmem:s15], [sflag:s0] =	dma.local @!p0 [hbm:s1], $0x1000  }
0x17: {  	s0 =	simm.s32 @!p0 $0x2  }
0x18: {  	_ =	swait.ge @!p0 [sflag:s0], $0x1000  }
0x19: {  	[sflag:s0] =	ssyncset.done @!p0 $0x0  }
0x1a: {  	[sflag:s0] =	ssyncadd.s32 @!p0 $0xFFFFF000  }
0x1b: {  	[bflag:$0x0] =	sbarrier.arrive $0xFFFF  }
0x1c: {  	[smem:s3], [sflag:$0x2] =	stream.linear.gather [spmem:s4], $0x80, $0x38;
	[tilespmem:$0x1000] =	vst v63  }
0x1d: {  	_ = 	snop  }
0x1e: {  	[smem:s16], [sflag:$0x2] =	stream.linear.gather [spmem:s7], $0x80, $0x38;
	[tilespmem:$0x1000] =	vst v63  }
0x1f: {  	_ = 	snop  }
0x20: {  	[smem:s17], [sflag:$0x2] =	stream.linear.gather [spmem:s8], $0x80, $0x38;
	[tilespmem:$0x1000] =	vst v63  }
0x21: {  	_ = 	snop  }
0x22: {  	[smem:s18], [sflag:$0x2] =	stream.linear.gather [spmem:s9], $0x80, $0x38;
	[tilespmem:$0x1000] =	vst v63  }
0x23: {  	_ = 	snop  }
0x24: {  	[smem:s19], [sflag:$0x2] =	stream.linear.gather [spmem:s10], $0x80, $0x38;
	[tilespmem:$0x1000] =	vst v63  }
0x25: {  	_ = 	snop  }
0x26: {  	[smem:s20], [sflag:$0x2] =	stream.linear.gather [spmem:s11], $0x80, $0x38;
	[tilespmem:$0x1000] =	vst v63  }
0x27: {  	_ = 	snop  }
0x28: {  	[smem:s21], [sflag:$0x2] =	stream.linear.gather [spmem:s12], $0x80, $0x38;
	[tilespmem:$0x1000] =	vst v63  }
0x29: {  	_ = 	snop  }
0x2a: {  	[smem:s22], [sflag:$0x2] =	stream.linear.gather [spmem:s13], $0x80, $0x38;
	[tilespmem:$0x1000] =	vst v63  }
0x2b: {  	_ =	swait.ge [sflag:s14], $0x400  }
0x2c: {  	[sflag:s14] =	ssyncset.done $0x0  }
0x2d: {  	[sflag:s14] =	ssyncadd.s32 $0xFFFFFC00  }
0x2e: {  	s1 =	sld [smem:$0x0];
	_ =	sdelay $0x1  }
0x2f: {  	s2 =	sand.u32 $0x70, s3  }
0x30: {  	s25 =	sand.u32 $0x1FC00, s3;
	s26 =	sshll.u32 s1, $0xA;
	s0 =	sshll.u32 s1, $0x7  }
0x31: {  	s25 =	sadd.s32 s25, s5;
	s26 =	sand.u32 $0xFFFFF800, s26;
	s0 =	sand.u32 $0x80, s0  }
0x32: {  	s1 =	sadd.s32 s2, s25;
	s0 =	sor.u32 s0, s26  }
0x33: {  	[hbm4b:s1+s3] =	stream.linear.scatter [tilespmem:s0], [sflag:$0x1], $0x80, $0x38;
	[tilespmem:$0x1000] =	vst v63  }
0x34: {  	s2 =	sadd.s32 $0x80, s1;
	s26 =	sor.u32 $0x100, s0  }
0x35: {  	[hbm4b:s2+s3] =	stream.linear.scatter [tilespmem:s26], [sflag:$0x1], $0x80, $0x38;
	[tilespmem:$0x1000] =	vst v63  }
0x36: {  	s26 =	sor.u32 $0x200, s0;
	s2 =	sadd.s32 $0x100, s1  }
0x37: {  	[hbm4b:s2+s3] =	stream.linear.scatter [tilespmem:s26], [sflag:$0x1], $0x80, $0x38;
	[tilespmem:$0x1000] =	vst v63  }
0x38: {  	s26 =	sor.u32 $0x300, s0;
	s2 =	sadd.s32 $0x180, s1  }
0x39: {  	[hbm4b:s2+s3] =	stream.linear.scatter [tilespmem:s26], [sflag:$0x1], $0x80, $0x38;
	[tilespmem:$0x1000] =	vst v63  }
0x3a: {  	s26 =	sor.u32 $0x400, s0;
	s2 =	sadd.s32 $0x200, s1  }
0x3b: {  	[hbm4b:s2+s3] =	stream.linear.scatter [tilespmem:s26], [sflag:$0x1], $0x80, $0x38;
	[tilespmem:$0x1000] =	vst v63  }
0x3c: {  	s29 =	simm.s32 $0x80;
	s26 =	sor.u32 $0x500, s0;
	s2 =	sadd.s32 $0x280, s1  }
0x3d: {  	[hbm4b:s2+s3] =	stream.linear.scatter [tilespmem:s26], [sflag:$0x1], $0x80, $0x38;
	[tilespmem:$0x1000] =	vst v63  }
0x3e: {  	s26 =	sor.u32 $0x600, s0;
	s2 =	sadd.s32 $0x300, s1;
	s30 =	sld [smem:$0x1]  }
0x3f: {  	[hbm4b:s2+s3] =	stream.linear.scatter [tilespmem:s26], [sflag:$0x1], $0x80, $0x38;
	[tilespmem:$0x1000] =	vst v63  }
0x40: {  	s28 =	simm.s32 $0x1;
	s25 =	simm.s32 $0x100;
	s26 =	simm.s32 $0x10  }
0x41: {  	s0 =	sor.u32 $0x700, s0;
	s1 =	sadd.s32 $0x380, s1;
	s31 =	sand.u32 $0x70, s26  }
.LBB2_2:
0x42: {  	[hbm4b:s1+s3] =	stream.linear.scatter [tilespmem:s0], [sflag:$0x1], $0x80, $0x38;
	[tilespmem:$0x1000] =	vst v63  }
0x43: {  	s0 =	smov.u32 s25  }
0x44: {  	s1 =	sand.u32 $0x1FC00, s29;
	s29 =	sshll.u32 s30, $0xA;
	s30 =	sshll.u32 s30, $0x7  }
0x45: {  	s1 =	sadd.s32 s1, s5;
	s29 =	sand.u32 $0xFFFFF800, s29;
	s30 =	sand.u32 $0x80, s30  }
0x46: {  	p1 =	sne.s32 s25, $0x1FF80;
	s1 =	sadd.s32 s31, s1;
	s2 =	sor.u32 s30, s29  }
0x47: {  	[hbm4b:s1+s3] =	stream.linear.scatter [tilespmem:s2], [sflag:$0x1], $0x80, $0x38;
	[tilespmem:$0x1000] =	vst v63  }
0x48: {  	s25 =	sadd.s32 $0x80, s25;
	s29 =	sor.u32 $0x100, s2;
	s30 =	sadd.s32 $0x80, s1  }
0x49: {  	[hbm4b:s30+s3] =	stream.linear.scatter [tilespmem:s29], [sflag:$0x1], $0x80, $0x38;
	[tilespmem:$0x1000] =	vst v63  }
0x4a: {  	s31 =	sadd.s32 $0x100, s1;
	s30 =	sor.u32 $0x200, s2;
	s29 =	smov.u32 s0  }
0x4b: {  	[hbm4b:s31+s3] =	stream.linear.scatter [tilespmem:s30], [sflag:$0x1], $0x80, $0x38;
	[tilespmem:$0x1000] =	vst v63  }
0x4c: {  	s26 =	sadd.s32 $0x10, s26;
	s0 =	sor.u32 $0x300, s2;
	s30 =	sadd.s32 $0x180, s1  }
0x4d: {  	[hbm4b:s30+s3] =	stream.linear.scatter [tilespmem:s0], [sflag:$0x1], $0x80, $0x38;
	[tilespmem:$0x1000] =	vst v63  }
0x4e: {  	s28 =	sadd.s32 $0x1, s28;
	s0 =	sor.u32 $0x400, s2;
	s30 =	sadd.s32 $0x200, s1  }
0x4f: {  	[hbm4b:s30+s3] =	stream.linear.scatter [tilespmem:s0], [sflag:$0x1], $0x80, $0x38;
	[tilespmem:$0x1000] =	vst v63  }
.Ltmp0:
0x50: {  	s0 =	sor.u32 $0x500, s2;
	s30 =	sadd.s32 $0x280, s1;
	(pc) =	sbr.rel @p1 .LBB2_2-.Ltmp0, $4  }
0x51: {  	[hbm4b:s30+s3] =	stream.linear.scatter [tilespmem:s0], [sflag:$0x1], $0x80, $0x38;
	[tilespmem:$0x1000] =	vst v63  }
0x52: {  	s31 =	sadd.s32 $0x300, s1;
	s0 =	sor.u32 $0x600, s2;
	s30 =	sld [smem:s28+$0x0]  }
0x53: {  	[hbm4b:s31+s3] =	stream.linear.scatter [tilespmem:s0], [sflag:$0x1], $0x80, $0x38;
	[tilespmem:$0x1000] =	vst v63  }
0x54: {  	s1 =	sadd.s32 $0x380, s1;
	s31 =	sand.u32 $0x70, s26;
	s0 =	sor.u32 $0x700, s2  }
0x55: {  	[hbm4b:s1+s3] =	stream.linear.scatter [tilespmem:s0], [sflag:$0x1], $0x80, $0x38;
	[tilespmem:$0x1000] =	vst v63  }
0x56: {  	s25 =	sand.u32 $0x1FC00, s29;
	s26 =	sshll.u32 s30, $0xA;
	s2 =	sshll.u32 s30, $0x7  }
0x57: {  	s0 =	sadd.s32 s25, s5;
	s1 =	sand.u32 $0xFFFFF800, s26;
	s2 =	sand.u32 $0x80, s2  }
0x58: {  	s0 =	sadd.s32 s31, s0;
	s1 =	sor.u32 s2, s1  }
0x59: {  	[hbm4b:s0+s3] =	stream.linear.scatter [tilespmem:s1], [sflag:$0x1], $0x80, $0x38;
	[tilespmem:$0x1000] =	vst v63  }
0x5a: {  	s2 =	sor.u32 $0x100, s1;
	s25 =	sadd.s32 $0x80, s0  }
0x5b: {  	[hbm4b:s25+s3] =	stream.linear.scatter [tilespmem:s2], [sflag:$0x1], $0x80, $0x38;
	[tilespmem:$0x1000] =	vst v63  }
0x5c: {  	s28 =	sor.u32 $0x200, s1;
	s29 =	sadd.s32 $0x100, s0  }
0x5d: {  	[hbm4b:s29+s3] =	stream.linear.scatter [tilespmem:s28], [sflag:$0x1], $0x80, $0x38;
	[tilespmem:$0x1000] =	vst v63  }
0x5e: {  	s30 =	sor.u32 $0x300, s1;
	s31 =	sadd.s32 $0x180, s0  }
0x5f: {  	[hbm4b:s31+s3] =	stream.linear.scatter [tilespmem:s30], [sflag:$0x1], $0x80, $0x38;
	[tilespmem:$0x1000] =	vst v63  }
0x60: {  	s26 =	sadd.s32 $0x200, s0;
	s25 =	sor.u32 $0x400, s1  }
0x61: {  	[hbm4b:s26+s3] =	stream.linear.scatter [tilespmem:s25], [sflag:$0x1], $0x80, $0x38;
	[tilespmem:$0x1000] =	vst v63  }
0x62: {  	s28 =	sor.u32 $0x500, s1;
	s29 =	sadd.s32 $0x280, s0  }
0x63: {  	[hbm4b:s29+s3] =	stream.linear.scatter [tilespmem:s28], [sflag:$0x1], $0x80, $0x38;
	[tilespmem:$0x1000] =	vst v63  }
0x64: {  	s30 =	sor.u32 $0x600, s1;
	s31 =	sadd.s32 $0x300, s0  }
0x65: {  	[hbm4b:s31+s3] =	stream.linear.scatter [tilespmem:s30], [sflag:$0x1], $0x80, $0x38;
	[tilespmem:$0x1000] =	vst v63  }
0x66: {  	s1 =	sor.u32 $0x700, s1;
	s0 =	sadd.s32 $0x380, s0  }
0x67: {  	[hbm4b:s0+s3] =	stream.linear.scatter [tilespmem:s1], [sflag:$0x1], $0x80, $0x38;
	[tilespmem:$0x1000] =	vst v63  }
0x68: {  	_ =	swait.ge [sflag:s23], $0x4000  }
0x69: {  	s25 =	simm.s32 $0x3F;
	[sflag:s23] =	ssyncset.done $0x0  }
.LBB2_4:
0x6a: {  	p1 =	sne.s32 s25, $0x1;
	s25 =	sadd.s32 $0xFFFFFFFF, s25;
	[sflag:s23] =	ssyncadd.s32 $0xFFFFC000  }
.Ltmp1:
0x6b: {  	(pc) =	sbr.rel @p1 .LBB2_4-.Ltmp1, $3  }
0x6c: {  	_ =	sdelay $0x1  }
0x6d: {  	_ =	swait.ge [sflag:s23], $0x4000  }
0x6e: {  	[sflag:s23] =	ssyncset.done $0x0  }
0x6f: {  	s24 =	sadd.s32 $0x1, s24  }
0x70: {  	p1 =	sne.s32 s24, s6  }
.Ltmp2:
0x71: {  	_ = 	snop;
	(pc) =	sbr.rel @p1 .LBB2_1-.Ltmp2, $2  }
0x72: {  	_ =	sdelay $0x2  }
0x73: {  	[sflag:s23] =	ssyncadd.s32 $0xFFFFC000  }
0x74: {  	_ =	sfence.sel $0x180000  }
0x75: {  	[bflag:$0x0] =	sbarrier.arrive $0xFFFF  }
0x76: {  	_ =	strace $0x90000047  }
0x77: {  	[bflag:$0x2] =	sbarrier.arrive $0xFFFF  }
0x78: {  	s0 =	rddreg [dreg:$0x4]  }
0x79: {  	s0 =	sadd.s32 @!p0 $0x100000, s0  }
0x7a: {  	[sflag:s0] =	ssyncadd.tile.s32 @!p0 $0x1;
	_ =	shalt  }
.Lfunc_end2:
_tile_overlayer_lowered:
.L_overlay_start_2:
0x7b: {  	(tag) =	ssettag $0x2  }
0x7c: {  	s0 =	rddreg [dreg:$0x0];
	s2 =	stileid.u32  }
0x7d: {  	s1 =	rddreg [dreg:$0x1];
	p0 =	sne.s32 s2, $0x0  }
0x7e: {  	s3 =	rddreg [dreg:$0x2];
	[bflag:$0x3] =	sbarrier.arrive $0xFFFF;
	s2 =	simm.s32 @!p0 $0x1C02  }
0x7f: {  	[timem:s3], [sflag:s2] =	dma.local @!p0 [hbm:s0], s1  }
0x80: {  	s0 =	simm.s32 @!p0 $0x2  }
0x81: {  	_ =	swait.ge @!p0 [sflag:s0], s1  }
0x82: {  	s1 =	ssub.s32 @!p0 $0x0, s1;
	[sflag:s0] =	ssyncset.done @!p0 $0x0  }
0x83: {  	[sflag:s0] =	ssyncadd.s32 @!p0 s1  }
0x84: {  	[bflag:$0x3] =	sbarrier.arrive $0xFFFF  }
0x85: {  	_ =	shalt  }

</sc_bundles>
